<compile_context>
chip_gen: v7x
topology: tpu7x:2x2x1
jax: 0.10.2.dev20260603
libtpu: 0.0.44.dev20260713+nightly
codegen_flags: <defaults>
</compile_context>

<pallas_src>
import functools

import jax
import jax.numpy as jnp
from jax import lax
from jax.experimental import pallas as pl
from jax.experimental.pallas import tpu as pltpu
from jax.experimental.pallas import tpu_sc as plsc

T = 32768
HIDDEN = 768
E = 8
K = 2
LANES = 16
NWORKERS = 32
TOK_PER_W = T // NWORKERS
BT = 1024


NSTREAM = 4
TQ = T // NSTREAM
NB = TQ // BT


def _mm_body(*refs):
    x_refs = refs[:NSTREAM]
    wt_ref = refs[NSTREAM]
    o_refs = refs[NSTREAM + 1:]
    for x_ref, o_ref in zip(x_refs, o_refs):
        o_ref[...] = jnp.dot(x_ref[...], wt_ref[...],
                             preferred_element_type=jnp.float32)


def _tc_logits(x, wt):
    outs = pl.pallas_call(
        _mm_body,
        grid=(NB,),
        in_specs=[
            pl.BlockSpec((BT, HIDDEN), lambda i, j=j: (i + j * NB, 0))
            for j in range(NSTREAM)
        ] + [pl.BlockSpec((HIDDEN, E), lambda i: (0, 0))],
        out_specs=[
            pl.BlockSpec((BT, E), lambda i: (i, 0)) for _ in range(NSTREAM)
        ],
        out_shape=[
            jax.ShapeDtypeStruct((TQ, E), jnp.float32) for _ in range(NSTREAM)
        ],
    )(*([x] * NSTREAM), wt)
    return jnp.concatenate(outs, axis=0)


def _router_body(logits_hbm, scores_hbm, w_hbm, i_hbm, lg_v, sc_v, w_v, i_v):
    wid = lax.axis_index("s") * 2 + lax.axis_index("c")
    tok0 = wid * TOK_PER_W
    pltpu.sync_copy(logits_hbm.at[pl.ds(tok0, TOK_PER_W), pl.ds(0, E)], lg_v)

    lane = lax.iota(jnp.int32, 16)
    big = jnp.full((LANES,), E, jnp.int32)
    neg = jnp.full((LANES,), -3.0e38, jnp.float32)

    def body(g, carry):
        row = g * LANES + lane
        vs = [plsc.load_gather(lg_v, [row, jnp.full((LANES,), e, jnp.int32)])
              for e in range(E)]
        m = vs[0]
        for e in range(1, E):
            m = jnp.maximum(m, vs[e])
        es = [jnp.exp(v - m) for v in vs]
        s = es[0]
        for e in range(1, E):
            s = s + es[e]
        ss = [ev / s for ev in es]
        v1 = ss[0]
        for e in range(1, E):
            v1 = jnp.maximum(v1, ss[e])
        i1 = big
        for e in range(E):
            i1 = jnp.minimum(i1, jnp.where(ss[e] == v1,
                                           jnp.full((LANES,), e, jnp.int32),
                                           big))
        v2 = neg
        for e in range(E):
            ecur = jnp.full((LANES,), e, jnp.int32)
            v2 = jnp.maximum(v2, jnp.where(i1 == ecur, neg, ss[e]))
        i2 = big
        for e in range(E):
            ecur = jnp.full((LANES,), e, jnp.int32)
            i2 = jnp.minimum(i2, jnp.where((ss[e] == v2) & (i1 != ecur),
                                           ecur, big))
        for e in range(E):
            plsc.store_scatter(sc_v, [row, jnp.full((LANES,), e, jnp.int32)],
                               ss[e])
        z = jnp.zeros((LANES,), jnp.int32)
        plsc.store_scatter(w_v, [row, z], v1)
        plsc.store_scatter(w_v, [row, z + 1], v2)
        plsc.store_scatter(i_v, [row, z], i1)
        plsc.store_scatter(i_v, [row, z + 1], i2)
        return carry

    lax.fori_loop(0, 1, body, 0)

    pltpu.sync_copy(sc_v, scores_hbm.at[pl.ds(tok0, TOK_PER_W), :])
    pltpu.sync_copy(w_v, w_hbm.at[pl.ds(tok0, TOK_PER_W), :])
    pltpu.sync_copy(i_v, i_hbm.at[pl.ds(tok0, TOK_PER_W), :])


_sc_router = functools.partial(
    pl.kernel,
    out_type=(
        jax.ShapeDtypeStruct((T, E), jnp.float32),
        jax.ShapeDtypeStruct((T, K), jnp.float32),
        jax.ShapeDtypeStruct((T, K), jnp.int32),
    ),
    mesh=plsc.VectorSubcoreMesh(core_axis_name="c", subcore_axis_name="s",
                                num_cores=2, num_subcores=16),
    scratch_types=[
        pltpu.VMEM((TOK_PER_W, E), jnp.float32),
        pltpu.VMEM((TOK_PER_W, E), jnp.float32),
        pltpu.VMEM((TOK_PER_W, K), jnp.float32),
        pltpu.VMEM((TOK_PER_W, K), jnp.int32),
    ],
    compiler_params=pltpu.CompilerParams(needs_layout_passes=False,
                                         use_tc_tiling_on_sc=False),
)(_router_body)


@jax.jit
def kernel(x, W):
    logits = _tc_logits(x, W.T)
    scores, expert_weights, expert_indices = _sc_router(x)
    return (scores, logits, expert_weights, expert_indices)

# --- scband reference (transcript-rebuilt; emitter-appended) ---
"""Pipeline reference for scband-learned-router-33638183862714 (READ-ONLY COPY).

The authoritative reference and input builder live on the scoring server;
editing this copy changes nothing except your own understanding.
"""

import jax, jax.numpy as jnp
import numpy as np

T = 32768        # batch*seq tokens (4 * 8192)
HIDDEN = 768
NUM_EXPERTS = 8
TOP_K = 2


def setup_inputs(seed: int = 0) -> dict:
    key = jax.random.key(seed)
    k1, k2 = jax.random.split(key)
    x = jax.random.normal(k1, (T, HIDDEN), dtype=jnp.float32)
    # router linear weight (no bias), shape [num_experts, hidden] like torch nn.Linear
    W = jax.random.normal(k2, (NUM_EXPERTS, HIDDEN), dtype=jnp.float32) * 0.02
    return {"x": x, "W": W}


def reference(x, W):
    # eval mode: no jitter. Standard top-k routing path (not expert-choice).
    # logits = self.layer(x.view(-1, hidden))
    xf = x.reshape(-1, x.shape[-1])
    logits = xf @ W.T
    scores = jax.nn.softmax(logits, axis=-1)
    # moe_top_k = 2 > 1, bias_u is None -> torch.topk(scores, top_k, dim=-1)
    expert_weights, expert_indices = jax.lax.top_k(scores, TOP_K)
    # moe_normalize_expert_weights is None -> no normalization
    # uniform_expert_assignment is False -> keep indices
    return (scores, logits, expert_weights, expert_indices)

if __name__ == "__main__":
    import jax
    _d = setup_inputs()
    print(jax.jit(kernel)(*tuple(_d.values())))

</pallas_src>

<mosaic_0001>
#map = affine_map<(d0, d1) -> (0, 0)>
module attributes {stable_mosaic.version = 14 : i64} {
  func.func @_router_body(%arg0: i32, %arg1: i32, %arg2: memref<32768x768xf32, #tpu.memory_space<hbm>>, %arg3: memref<32768x8xf32, #tpu.memory_space<hbm>>, %arg4: memref<32768x2xf32, #tpu.memory_space<hbm>>, %arg5: memref<32768x2xi32, #tpu.memory_space<hbm>>, %arg6: memref<1024x8xf32, #tpu.memory_space<vmem>>, %arg7: memref<1024x8xf32, #tpu.memory_space<vmem>>, %arg8: memref<1024x2xf32, #tpu.memory_space<vmem>>, %arg9: memref<1024x2xi32, #tpu.memory_space<vmem>>) attributes {dimension_semantics = [#tpu.dimension_semantics<core_parallel>, #tpu.dimension_semantics<subcore_parallel>], iteration_bounds = array<i64: 2, 16>, scalar_prefetch = 0 : i64, scratch_operands = 4 : i64, tpu.core_type = #tpu.core_type<sc_vector_subcore>, window_params = [{transform_indices = #map}, {transform_indices = #map}, {transform_indices = #map}, {transform_indices = #map}]} {
    %mul3A = arith.constant 2 : i32
    %mul3A_0 = arith.muli %arg1, %mul3A : i32
    %add3A = arith.addi %mul3A_0, %arg0 : i32
    %mul3A_1 = arith.constant 1024 : i32
    %mul3A_2 = arith.muli %add3A, %mul3A_1 : i32
    "tpu.region"() ({
      %run_scoped3A = tpu.sem_alloc : memref<!tpu.dma_semaphore, #tpu.memory_space<semaphore_mem>>
      %dma_start3A = arith.constant 0 : i32
      %dma_start3A_231 = tpu.memref_slice %arg2[%mul3A_2, %dma_start3A] : memref<32768x768xf32, #tpu.memory_space<hbm>> -> memref<1024x8xf32, #tpu.memory_space<hbm>>
      %dma_start3A_232 = arith.constant 0 : i32
      %dma_start3A_233 = tpu.memref_slice %arg2[%mul3A_2, %dma_start3A_232] : memref<32768x768xf32, #tpu.memory_space<hbm>> -> memref<1024x8xf32, #tpu.memory_space<hbm>>
      tpu.enqueue_dma source(%dma_start3A_233 : memref<1024x8xf32, #tpu.memory_space<hbm>>) target(%arg6 : memref<1024x8xf32, #tpu.memory_space<vmem>>) target_semaphore(%run_scoped3A : memref<!tpu.dma_semaphore, #tpu.memory_space<semaphore_mem>>)
      %dma_wait3A = arith.constant 0 : i32
      %dma_wait3A_234 = tpu.memref_slice %arg2[%mul3A_2, %dma_wait3A] : memref<32768x768xf32, #tpu.memory_space<hbm>> -> memref<1024x8xf32, #tpu.memory_space<hbm>>
      %dma_wait3A_235 = arith.constant 0 : i32
      %dma_wait3A_236 = tpu.memref_slice %arg2[%mul3A_2, %dma_wait3A_235] : memref<32768x768xf32, #tpu.memory_space<hbm>> -> memref<1024x8xf32, #tpu.memory_space<hbm>>
      tpu.wait_dma2 semaphore(%run_scoped3A : memref<!tpu.dma_semaphore, #tpu.memory_space<semaphore_mem>>) src(%dma_wait3A_236 : memref<1024x8xf32, #tpu.memory_space<hbm>>) dst(%arg6 : memref<1024x8xf32, #tpu.memory_space<vmem>>)
      tpu.yield
    }) : () -> ()
    %iota3A = tpu.iota {dimensions = array<i32: 0>} : vector<16xi32>
    %broadcast_in_dim3A = arith.constant 8 : i32
    %broadcast_in_dim3A_3 = vector.broadcast %broadcast_in_dim3A : i32 to vector<16xi32>
    %broadcast_in_dim3A_4 = arith.constant -3.000000e+38 : f32
    %broadcast_in_dim3A_5 = vector.broadcast %broadcast_in_dim3A_4 : f32 to vector<16xf32>
    %scan3A = arith.constant 0 : i32
    %scan3A_6 = arith.constant 0 : i32
    %mul3A_7 = arith.constant 16 : i32
    %mul3A_8 = arith.muli %scan3A_6, %mul3A_7 : i32
    %add3A_9 = vector.broadcast %mul3A_8 : i32 to vector<16xi32>
    %add3A_10 = arith.addi %add3A_9, %iota3A : vector<16xi32>
    %broadcast_in_dim3A_11 = arith.constant 0 : i32
    %broadcast_in_dim3A_12 = vector.broadcast %broadcast_in_dim3A_11 : i32 to vector<16xi32>
    %gather3A = tpu.vector_load_idx %arg6[%add3A_10, %broadcast_in_dim3A_12] : memref<1024x8xf32, #tpu.memory_space<vmem>>[vector<16xi32>, vector<16xi32>], vector<16xf32>,
    %broadcast_in_dim3A_13 = arith.constant 1 : i32
    %broadcast_in_dim3A_14 = vector.broadcast %broadcast_in_dim3A_13 : i32 to vector<16xi32>
    %gather3A_15 = tpu.vector_load_idx %arg6[%add3A_10, %broadcast_in_dim3A_14] : memref<1024x8xf32, #tpu.memory_space<vmem>>[vector<16xi32>, vector<16xi32>], vector<16xf32>,
    %broadcast_in_dim3A_16 = arith.constant 2 : i32
    %broadcast_in_dim3A_17 = vector.broadcast %broadcast_in_dim3A_16 : i32 to vector<16xi32>
    %gather3A_18 = tpu.vector_load_idx %arg6[%add3A_10, %broadcast_in_dim3A_17] : memref<1024x8xf32, #tpu.memory_space<vmem>>[vector<16xi32>, vector<16xi32>], vector<16xf32>,
    %broadcast_in_dim3A_19 = arith.constant 3 : i32
    %broadcast_in_dim3A_20 = vector.broadcast %broadcast_in_dim3A_19 : i32 to vector<16xi32>
    %gather3A_21 = tpu.vector_load_idx %arg6[%add3A_10, %broadcast_in_dim3A_20] : memref<1024x8xf32, #tpu.memory_space<vmem>>[vector<16xi32>, vector<16xi32>], vector<16xf32>,
    %broadcast_in_dim3A_22 = arith.constant 4 : i32
    %broadcast_in_dim3A_23 = vector.broadcast %broadcast_in_dim3A_22 : i32 to vector<16xi32>
    %gather3A_24 = tpu.vector_load_idx %arg6[%add3A_10, %broadcast_in_dim3A_23] : memref<1024x8xf32, #tpu.memory_space<vmem>>[vector<16xi32>, vector<16xi32>], vector<16xf32>,
    %broadcast_in_dim3A_25 = arith.constant 5 : i32
    %broadcast_in_dim3A_26 = vector.broadcast %broadcast_in_dim3A_25 : i32 to vector<16xi32>
    %gather3A_27 = tpu.vector_load_idx %arg6[%add3A_10, %broadcast_in_dim3A_26] : memref<1024x8xf32, #tpu.memory_space<vmem>>[vector<16xi32>, vector<16xi32>], vector<16xf32>,
    %broadcast_in_dim3A_28 = arith.constant 6 : i32
    %broadcast_in_dim3A_29 = vector.broadcast %broadcast_in_dim3A_28 : i32 to vector<16xi32>
    %gather3A_30 = tpu.vector_load_idx %arg6[%add3A_10, %broadcast_in_dim3A_29] : memref<1024x8xf32, #tpu.memory_space<vmem>>[vector<16xi32>, vector<16xi32>], vector<16xf32>,
    %broadcast_in_dim3A_31 = arith.constant 7 : i32
    %broadcast_in_dim3A_32 = vector.broadcast %broadcast_in_dim3A_31 : i32 to vector<16xi32>
    %gather3A_33 = tpu.vector_load_idx %arg6[%add3A_10, %broadcast_in_dim3A_32] : memref<1024x8xf32, #tpu.memory_space<vmem>>[vector<16xi32>, vector<16xi32>], vector<16xf32>,
    %max3A = arith.maximumf %gather3A, %gather3A_15 : vector<16xf32>
    %max3A_34 = arith.maximumf %max3A, %gather3A_18 : vector<16xf32>
    %max3A_35 = arith.maximumf %max3A_34, %gather3A_21 : vector<16xf32>
    %max3A_36 = arith.maximumf %max3A_35, %gather3A_24 : vector<16xf32>
    %max3A_37 = arith.maximumf %max3A_36, %gather3A_27 : vector<16xf32>
    %max3A_38 = arith.maximumf %max3A_37, %gather3A_30 : vector<16xf32>
    %max3A_39 = arith.maximumf %max3A_38, %gather3A_33 : vector<16xf32>
    %sub3A = arith.subf %gather3A, %max3A_39 : vector<16xf32>
    %exp3A = math.exp %sub3A : vector<16xf32>
    %sub3A_40 = arith.subf %gather3A_15, %max3A_39 : vector<16xf32>
    %exp3A_41 = math.exp %sub3A_40 : vector<16xf32>
    %sub3A_42 = arith.subf %gather3A_18, %max3A_39 : vector<16xf32>
    %exp3A_43 = math.exp %sub3A_42 : vector<16xf32>
    %sub3A_44 = arith.subf %gather3A_21, %max3A_39 : vector<16xf32>
    %exp3A_45 = math.exp %sub3A_44 : vector<16xf32>
    %sub3A_46 = arith.subf %gather3A_24, %max3A_39 : vector<16xf32>
    %exp3A_47 = math.exp %sub3A_46 : vector<16xf32>
    %sub3A_48 = arith.subf %gather3A_27, %max3A_39 : vector<16xf32>
    %exp3A_49 = math.exp %sub3A_48 : vector<16xf32>
    %sub3A_50 = arith.subf %gather3A_30, %max3A_39 : vector<16xf32>
    %exp3A_51 = math.exp %sub3A_50 : vector<16xf32>
    %sub3A_52 = arith.subf %gather3A_33, %max3A_39 : vector<16xf32>
    %exp3A_53 = math.exp %sub3A_52 : vector<16xf32>
    %add3A_54 = arith.addf %exp3A, %exp3A_41 : vector<16xf32>
    %add3A_55 = arith.addf %add3A_54, %exp3A_43 : vector<16xf32>
    %add3A_56 = arith.addf %add3A_55, %exp3A_45 : vector<16xf32>
    %add3A_57 = arith.addf %add3A_56, %exp3A_47 : vector<16xf32>
    %add3A_58 = arith.addf %add3A_57, %exp3A_49 : vector<16xf32>
    %add3A_59 = arith.addf %add3A_58, %exp3A_51 : vector<16xf32>
    %add3A_60 = arith.addf %add3A_59, %exp3A_53 : vector<16xf32>
    %div3A = arith.divf %exp3A, %add3A_60 : vector<16xf32>
    %div3A_61 = arith.divf %exp3A_41, %add3A_60 : vector<16xf32>
    %div3A_62 = arith.divf %exp3A_43, %add3A_60 : vector<16xf32>
    %div3A_63 = arith.divf %exp3A_45, %add3A_60 : vector<16xf32>
    %div3A_64 = arith.divf %exp3A_47, %add3A_60 : vector<16xf32>
    %div3A_65 = arith.divf %exp3A_49, %add3A_60 : vector<16xf32>
    %div3A_66 = arith.divf %exp3A_51, %add3A_60 : vector<16xf32>
    %div3A_67 = arith.divf %exp3A_53, %add3A_60 : vector<16xf32>
    %max3A_68 = arith.maximumf %div3A, %div3A_61 : vector<16xf32>
    %max3A_69 = arith.maximumf %max3A_68, %div3A_62 : vector<16xf32>
    %max3A_70 = arith.maximumf %max3A_69, %div3A_63 : vector<16xf32>
    %max3A_71 = arith.maximumf %max3A_70, %div3A_64 : vector<16xf32>
    %max3A_72 = arith.maximumf %max3A_71, %div3A_65 : vector<16xf32>
    %max3A_73 = arith.maximumf %max3A_72, %div3A_66 : vector<16xf32>
    %max3A_74 = arith.maximumf %max3A_73, %div3A_67 : vector<16xf32>
    %eq3A = arith.cmpf oeq, %div3A, %max3A_74 : vector<16xf32>
    %broadcast_in_dim3A_75 = arith.constant 0 : i32
    %broadcast_in_dim3A_76 = vector.broadcast %broadcast_in_dim3A_75 : i32 to vector<16xi32>
    %select_n3A = arith.select %eq3A, %broadcast_in_dim3A_76, %broadcast_in_dim3A_3 : vector<16xi1>, vector<16xi32>
    %min3A = arith.minsi %broadcast_in_dim3A_3, %select_n3A : vector<16xi32>
    %eq3A_77 = arith.cmpf oeq, %div3A_61, %max3A_74 : vector<16xf32>
    %broadcast_in_dim3A_78 = arith.constant 1 : i32
    %broadcast_in_dim3A_79 = vector.broadcast %broadcast_in_dim3A_78 : i32 to vector<16xi32>
    %select_n3A_80 = arith.select %eq3A_77, %broadcast_in_dim3A_79, %broadcast_in_dim3A_3 : vector<16xi1>, vector<16xi32>
    %min3A_81 = arith.minsi %min3A, %select_n3A_80 : vector<16xi32>
    %eq3A_82 = arith.cmpf oeq, %div3A_62, %max3A_74 : vector<16xf32>
    %broadcast_in_dim3A_83 = arith.constant 2 : i32
    %broadcast_in_dim3A_84 = vector.broadcast %broadcast_in_dim3A_83 : i32 to vector<16xi32>
    %select_n3A_85 = arith.select %eq3A_82, %broadcast_in_dim3A_84, %broadcast_in_dim3A_3 : vector<16xi1>, vector<16xi32>
    %min3A_86 = arith.minsi %min3A_81, %select_n3A_85 : vector<16xi32>
    %eq3A_87 = arith.cmpf oeq, %div3A_63, %max3A_74 : vector<16xf32>
    %broadcast_in_dim3A_88 = arith.constant 3 : i32
    %broadcast_in_dim3A_89 = vector.broadcast %broadcast_in_dim3A_88 : i32 to vector<16xi32>
    %select_n3A_90 = arith.select %eq3A_87, %broadcast_in_dim3A_89, %broadcast_in_dim3A_3 : vector<16xi1>, vector<16xi32>
    %min3A_91 = arith.minsi %min3A_86, %select_n3A_90 : vector<16xi32>
    %eq3A_92 = arith.cmpf oeq, %div3A_64, %max3A_74 : vector<16xf32>
    %broadcast_in_dim3A_93 = arith.constant 4 : i32
    %broadcast_in_dim3A_94 = vector.broadcast %broadcast_in_dim3A_93 : i32 to vector<16xi32>
    %select_n3A_95 = arith.select %eq3A_92, %broadcast_in_dim3A_94, %broadcast_in_dim3A_3 : vector<16xi1>, vector<16xi32>
    %min3A_96 = arith.minsi %min3A_91, %select_n3A_95 : vector<16xi32>
    %eq3A_97 = arith.cmpf oeq, %div3A_65, %max3A_74 : vector<16xf32>
    %broadcast_in_dim3A_98 = arith.constant 5 : i32
    %broadcast_in_dim3A_99 = vector.broadcast %broadcast_in_dim3A_98 : i32 to vector<16xi32>
    %select_n3A_100 = arith.select %eq3A_97, %broadcast_in_dim3A_99, %broadcast_in_dim3A_3 : vector<16xi1>, vector<16xi32>
    %min3A_101 = arith.minsi %min3A_96, %select_n3A_100 : vector<16xi32>
    %eq3A_102 = arith.cmpf oeq, %div3A_66, %max3A_74 : vector<16xf32>
    %broadcast_in_dim3A_103 = arith.constant 6 : i32
    %broadcast_in_dim3A_104 = vector.broadcast %broadcast_in_dim3A_103 : i32 to vector<16xi32>
    %select_n3A_105 = arith.select %eq3A_102, %broadcast_in_dim3A_104, %broadcast_in_dim3A_3 : vector<16xi1>, vector<16xi32>
    %min3A_106 = arith.minsi %min3A_101, %select_n3A_105 : vector<16xi32>
    %eq3A_107 = arith.cmpf oeq, %div3A_67, %max3A_74 : vector<16xf32>
    %broadcast_in_dim3A_108 = arith.constant 7 : i32
    %broadcast_in_dim3A_109 = vector.broadcast %broadcast_in_dim3A_108 : i32 to vector<16xi32>
    %select_n3A_110 = arith.select %eq3A_107, %broadcast_in_dim3A_109, %broadcast_in_dim3A_3 : vector<16xi1>, vector<16xi32>
    %min3A_111 = arith.minsi %min3A_106, %select_n3A_110 : vector<16xi32>
    %broadcast_in_dim3A_112 = arith.constant 0 : i32
    %broadcast_in_dim3A_113 = vector.broadcast %broadcast_in_dim3A_112 : i32 to vector<16xi32>
    %eq3A_114 = arith.cmpi eq, %min3A_111, %broadcast_in_dim3A_113 : vector<16xi32>
    %select_n3A_115 = arith.select %eq3A_114, %broadcast_in_dim3A_5, %div3A : vector<16xi1>, vector<16xf32>
    %max3A_116 = arith.maximumf %broadcast_in_dim3A_5, %select_n3A_115 : vector<16xf32>
    %broadcast_in_dim3A_117 = arith.constant 1 : i32
    %broadcast_in_dim3A_118 = vector.broadcast %broadcast_in_dim3A_117 : i32 to vector<16xi32>
    %eq3A_119 = arith.cmpi eq, %min3A_111, %broadcast_in_dim3A_118 : vector<16xi32>
    %select_n3A_120 = arith.select %eq3A_119, %broadcast_in_dim3A_5, %div3A_61 : vector<16xi1>, vector<16xf32>
    %max3A_121 = arith.maximumf %max3A_116, %select_n3A_120 : vector<16xf32>
    %broadcast_in_dim3A_122 = arith.constant 2 : i32
    %broadcast_in_dim3A_123 = vector.broadcast %broadcast_in_dim3A_122 : i32 to vector<16xi32>
    %eq3A_124 = arith.cmpi eq, %min3A_111, %broadcast_in_dim3A_123 : vector<16xi32>
    %select_n3A_125 = arith.select %eq3A_124, %broadcast_in_dim3A_5, %div3A_62 : vector<16xi1>, vector<16xf32>
    %max3A_126 = arith.maximumf %max3A_121, %select_n3A_125 : vector<16xf32>
    %broadcast_in_dim3A_127 = arith.constant 3 : i32
    %broadcast_in_dim3A_128 = vector.broadcast %broadcast_in_dim3A_127 : i32 to vector<16xi32>
    %eq3A_129 = arith.cmpi eq, %min3A_111, %broadcast_in_dim3A_128 : vector<16xi32>
    %select_n3A_130 = arith.select %eq3A_129, %broadcast_in_dim3A_5, %div3A_63 : vector<16xi1>, vector<16xf32>
    %max3A_131 = arith.maximumf %max3A_126, %select_n3A_130 : vector<16xf32>
    %broadcast_in_dim3A_132 = arith.constant 4 : i32
    %broadcast_in_dim3A_133 = vector.broadcast %broadcast_in_dim3A_132 : i32 to vector<16xi32>
    %eq3A_134 = arith.cmpi eq, %min3A_111, %broadcast_in_dim3A_133 : vector<16xi32>
    %select_n3A_135 = arith.select %eq3A_134, %broadcast_in_dim3A_5, %div3A_64 : vector<16xi1>, vector<16xf32>
    %max3A_136 = arith.maximumf %max3A_131, %select_n3A_135 : vector<16xf32>
    %broadcast_in_dim3A_137 = arith.constant 5 : i32
    %broadcast_in_dim3A_138 = vector.broadcast %broadcast_in_dim3A_137 : i32 to vector<16xi32>
    %eq3A_139 = arith.cmpi eq, %min3A_111, %broadcast_in_dim3A_138 : vector<16xi32>
    %select_n3A_140 = arith.select %eq3A_139, %broadcast_in_dim3A_5, %div3A_65 : vector<16xi1>, vector<16xf32>
    %max3A_141 = arith.maximumf %max3A_136, %select_n3A_140 : vector<16xf32>
    %broadcast_in_dim3A_142 = arith.constant 6 : i32
    %broadcast_in_dim3A_143 = vector.broadcast %broadcast_in_dim3A_142 : i32 to vector<16xi32>
    %eq3A_144 = arith.cmpi eq, %min3A_111, %broadcast_in_dim3A_143 : vector<16xi32>
    %select_n3A_145 = arith.select %eq3A_144, %broadcast_in_dim3A_5, %div3A_66 : vector<16xi1>, vector<16xf32>
    %max3A_146 = arith.maximumf %max3A_141, %select_n3A_145 : vector<16xf32>
    %broadcast_in_dim3A_147 = arith.constant 7 : i32
    %broadcast_in_dim3A_148 = vector.broadcast %broadcast_in_dim3A_147 : i32 to vector<16xi32>
    %eq3A_149 = arith.cmpi eq, %min3A_111, %broadcast_in_dim3A_148 : vector<16xi32>
    %select_n3A_150 = arith.select %eq3A_149, %broadcast_in_dim3A_5, %div3A_67 : vector<16xi1>, vector<16xf32>
    %max3A_151 = arith.maximumf %max3A_146, %select_n3A_150 : vector<16xf32>
    %broadcast_in_dim3A_152 = arith.constant 0 : i32
    %broadcast_in_dim3A_153 = vector.broadcast %broadcast_in_dim3A_152 : i32 to vector<16xi32>
    %eq3A_154 = arith.cmpf oeq, %div3A, %max3A_151 : vector<16xf32>
    %ne3A = arith.cmpi ne, %min3A_111, %broadcast_in_dim3A_153 : vector<16xi32>
    %and3A = arith.andi %eq3A_154, %ne3A : vector<16xi1>
    %select_n3A_155 = arith.select %and3A, %broadcast_in_dim3A_153, %broadcast_in_dim3A_3 : vector<16xi1>, vector<16xi32>
    %min3A_156 = arith.minsi %broadcast_in_dim3A_3, %select_n3A_155 : vector<16xi32>
    %broadcast_in_dim3A_157 = arith.constant 1 : i32
    %broadcast_in_dim3A_158 = vector.broadcast %broadcast_in_dim3A_157 : i32 to vector<16xi32>
    %eq3A_159 = arith.cmpf oeq, %div3A_61, %max3A_151 : vector<16xf32>
    %ne3A_160 = arith.cmpi ne, %min3A_111, %broadcast_in_dim3A_158 : vector<16xi32>
    %and3A_161 = arith.andi %eq3A_159, %ne3A_160 : vector<16xi1>
    %select_n3A_162 = arith.select %and3A_161, %broadcast_in_dim3A_158, %broadcast_in_dim3A_3 : vector<16xi1>, vector<16xi32>
    %min3A_163 = arith.minsi %min3A_156, %select_n3A_162 : vector<16xi32>
    %broadcast_in_dim3A_164 = arith.constant 2 : i32
    %broadcast_in_dim3A_165 = vector.broadcast %broadcast_in_dim3A_164 : i32 to vector<16xi32>
    %eq3A_166 = arith.cmpf oeq, %div3A_62, %max3A_151 : vector<16xf32>
    %ne3A_167 = arith.cmpi ne, %min3A_111, %broadcast_in_dim3A_165 : vector<16xi32>
    %and3A_168 = arith.andi %eq3A_166, %ne3A_167 : vector<16xi1>
    %select_n3A_169 = arith.select %and3A_168, %broadcast_in_dim3A_165, %broadcast_in_dim3A_3 : vector<16xi1>, vector<16xi32>
    %min3A_170 = arith.minsi %min3A_163, %select_n3A_169 : vector<16xi32>
    %broadcast_in_dim3A_171 = arith.constant 3 : i32
    %broadcast_in_dim3A_172 = vector.broadcast %broadcast_in_dim3A_171 : i32 to vector<16xi32>
    %eq3A_173 = arith.cmpf oeq, %div3A_63, %max3A_151 : vector<16xf32>
    %ne3A_174 = arith.cmpi ne, %min3A_111, %broadcast_in_dim3A_172 : vector<16xi32>
    %and3A_175 = arith.andi %eq3A_173, %ne3A_174 : vector<16xi1>
    %select_n3A_176 = arith.select %and3A_175, %broadcast_in_dim3A_172, %broadcast_in_dim3A_3 : vector<16xi1>, vector<16xi32>
    %min3A_177 = arith.minsi %min3A_170, %select_n3A_176 : vector<16xi32>
    %broadcast_in_dim3A_178 = arith.constant 4 : i32
    %broadcast_in_dim3A_179 = vector.broadcast %broadcast_in_dim3A_178 : i32 to vector<16xi32>
    %eq3A_180 = arith.cmpf oeq, %div3A_64, %max3A_151 : vector<16xf32>
    %ne3A_181 = arith.cmpi ne, %min3A_111, %broadcast_in_dim3A_179 : vector<16xi32>
    %and3A_182 = arith.andi %eq3A_180, %ne3A_181 : vector<16xi1>
    %select_n3A_183 = arith.select %and3A_182, %broadcast_in_dim3A_179, %broadcast_in_dim3A_3 : vector<16xi1>, vector<16xi32>
    %min3A_184 = arith.minsi %min3A_177, %select_n3A_183 : vector<16xi32>
    %broadcast_in_dim3A_185 = arith.constant 5 : i32
    %broadcast_in_dim3A_186 = vector.broadcast %broadcast_in_dim3A_185 : i32 to vector<16xi32>
    %eq3A_187 = arith.cmpf oeq, %div3A_65, %max3A_151 : vector<16xf32>
    %ne3A_188 = arith.cmpi ne, %min3A_111, %broadcast_in_dim3A_186 : vector<16xi32>
    %and3A_189 = arith.andi %eq3A_187, %ne3A_188 : vector<16xi1>
    %select_n3A_190 = arith.select %and3A_189, %broadcast_in_dim3A_186, %broadcast_in_dim3A_3 : vector<16xi1>, vector<16xi32>
    %min3A_191 = arith.minsi %min3A_184, %select_n3A_190 : vector<16xi32>
    %broadcast_in_dim3A_192 = arith.constant 6 : i32
    %broadcast_in_dim3A_193 = vector.broadcast %broadcast_in_dim3A_192 : i32 to vector<16xi32>
    %eq3A_194 = arith.cmpf oeq, %div3A_66, %max3A_151 : vector<16xf32>
    %ne3A_195 = arith.cmpi ne, %min3A_111, %broadcast_in_dim3A_193 : vector<16xi32>
    %and3A_196 = arith.andi %eq3A_194, %ne3A_195 : vector<16xi1>
    %select_n3A_197 = arith.select %and3A_196, %broadcast_in_dim3A_193, %broadcast_in_dim3A_3 : vector<16xi1>, vector<16xi32>
    %min3A_198 = arith.minsi %min3A_191, %select_n3A_197 : vector<16xi32>
    %broadcast_in_dim3A_199 = arith.constant 7 : i32
    %broadcast_in_dim3A_200 = vector.broadcast %broadcast_in_dim3A_199 : i32 to vector<16xi32>
    %eq3A_201 = arith.cmpf oeq, %div3A_67, %max3A_151 : vector<16xf32>
    %ne3A_202 = arith.cmpi ne, %min3A_111, %broadcast_in_dim3A_200 : vector<16xi32>
    %and3A_203 = arith.andi %eq3A_201, %ne3A_202 : vector<16xi1>
    %select_n3A_204 = arith.select %and3A_203, %broadcast_in_dim3A_200, %broadcast_in_dim3A_3 : vector<16xi1>, vector<16xi32>
    %min3A_205 = arith.minsi %min3A_198, %select_n3A_204 : vector<16xi32>
    %broadcast_in_dim3A_206 = arith.constant 0 : i32
    %broadcast_in_dim3A_207 = vector.broadcast %broadcast_in_dim3A_206 : i32 to vector<16xi32>
    tpu.vector_store_idx %arg7[%add3A_10, %broadcast_in_dim3A_207], %div3A : memref<1024x8xf32, #tpu.memory_space<vmem>>[vector<16xi32>, vector<16xi32>], vector<16xf32>,
    %broadcast_in_dim3A_208 = arith.constant 1 : i32
    %broadcast_in_dim3A_209 = vector.broadcast %broadcast_in_dim3A_208 : i32 to vector<16xi32>
    tpu.vector_store_idx %arg7[%add3A_10, %broadcast_in_dim3A_209], %div3A_61 : memref<1024x8xf32, #tpu.memory_space<vmem>>[vector<16xi32>, vector<16xi32>], vector<16xf32>,
    %broadcast_in_dim3A_210 = arith.constant 2 : i32
    %broadcast_in_dim3A_211 = vector.broadcast %broadcast_in_dim3A_210 : i32 to vector<16xi32>
    tpu.vector_store_idx %arg7[%add3A_10, %broadcast_in_dim3A_211], %div3A_62 : memref<1024x8xf32, #tpu.memory_space<vmem>>[vector<16xi32>, vector<16xi32>], vector<16xf32>,
    %broadcast_in_dim3A_212 = arith.constant 3 : i32
    %broadcast_in_dim3A_213 = vector.broadcast %broadcast_in_dim3A_212 : i32 to vector<16xi32>
    tpu.vector_store_idx %arg7[%add3A_10, %broadcast_in_dim3A_213], %div3A_63 : memref<1024x8xf32, #tpu.memory_space<vmem>>[vector<16xi32>, vector<16xi32>], vector<16xf32>,
    %broadcast_in_dim3A_214 = arith.constant 4 : i32
    %broadcast_in_dim3A_215 = vector.broadcast %broadcast_in_dim3A_214 : i32 to vector<16xi32>
    tpu.vector_store_idx %arg7[%add3A_10, %broadcast_in_dim3A_215], %div3A_64 : memref<1024x8xf32, #tpu.memory_space<vmem>>[vector<16xi32>, vector<16xi32>], vector<16xf32>,
    %broadcast_in_dim3A_216 = arith.constant 5 : i32
    %broadcast_in_dim3A_217 = vector.broadcast %broadcast_in_dim3A_216 : i32 to vector<16xi32>
    tpu.vector_store_idx %arg7[%add3A_10, %broadcast_in_dim3A_217], %div3A_65 : memref<1024x8xf32, #tpu.memory_space<vmem>>[vector<16xi32>, vector<16xi32>], vector<16xf32>,
    %broadcast_in_dim3A_218 = arith.constant 6 : i32
    %broadcast_in_dim3A_219 = vector.broadcast %broadcast_in_dim3A_218 : i32 to vector<16xi32>
    tpu.vector_store_idx %arg7[%add3A_10, %broadcast_in_dim3A_219], %div3A_66 : memref<1024x8xf32, #tpu.memory_space<vmem>>[vector<16xi32>, vector<16xi32>], vector<16xf32>,
    %broadcast_in_dim3A_220 = arith.constant 7 : i32
    %broadcast_in_dim3A_221 = vector.broadcast %broadcast_in_dim3A_220 : i32 to vector<16xi32>
    tpu.vector_store_idx %arg7[%add3A_10, %broadcast_in_dim3A_221], %div3A_67 : memref<1024x8xf32, #tpu.memory_space<vmem>>[vector<16xi32>, vector<16xi32>], vector<16xf32>,
    %broadcast_in_dim3A_222 = arith.constant 0 : i32
    %broadcast_in_dim3A_223 = vector.broadcast %broadcast_in_dim3A_222 : i32 to vector<16xi32>
    tpu.vector_store_idx %arg8[%add3A_10, %broadcast_in_dim3A_223], %max3A_74 : memref<1024x2xf32, #tpu.memory_space<vmem>>[vector<16xi32>, vector<16xi32>], vector<16xf32>,
    %add3A_224 = arith.constant 1 : i32
    %add3A_225 = vector.broadcast %add3A_224 : i32 to vector<16xi32>
    %add3A_226 = arith.addi %broadcast_in_dim3A_223, %add3A_225 : vector<16xi32>
    tpu.vector_store_idx %arg8[%add3A_10, %add3A_226], %max3A_151 : memref<1024x2xf32, #tpu.memory_space<vmem>>[vector<16xi32>, vector<16xi32>], vector<16xf32>,
    tpu.vector_store_idx %arg9[%add3A_10, %broadcast_in_dim3A_223], %min3A_111 : memref<1024x2xi32, #tpu.memory_space<vmem>>[vector<16xi32>, vector<16xi32>], vector<16xi32>,
    %add3A_227 = arith.constant 1 : i32
    %add3A_228 = vector.broadcast %add3A_227 : i32 to vector<16xi32>
    %add3A_229 = arith.addi %broadcast_in_dim3A_223, %add3A_228 : vector<16xi32>
    tpu.vector_store_idx %arg9[%add3A_10, %add3A_229], %min3A_205 : memref<1024x2xi32, #tpu.memory_space<vmem>>[vector<16xi32>, vector<16xi32>], vector<16xi32>,
    %scan3A_230 = arith.constant 1 : i32
    "tpu.region"() ({
      %run_scoped3A = tpu.sem_alloc : memref<!tpu.dma_semaphore, #tpu.memory_space<semaphore_mem>>
      %dma_start3A = arith.constant 0 : i32
      %dma_start3A_231 = tpu.memref_slice %arg3[%mul3A_2, %dma_start3A] : memref<32768x8xf32, #tpu.memory_space<hbm>> -> memref<1024x8xf32, #tpu.memory_space<hbm>>
      %dma_start3A_232 = arith.constant 0 : i32
      %dma_start3A_233 = tpu.memref_slice %arg3[%mul3A_2, %dma_start3A_232] : memref<32768x8xf32, #tpu.memory_space<hbm>> -> memref<1024x8xf32, #tpu.memory_space<hbm>>
      tpu.enqueue_dma source(%arg7 : memref<1024x8xf32, #tpu.memory_space<vmem>>) target(%dma_start3A_233 : memref<1024x8xf32, #tpu.memory_space<hbm>>) target_semaphore(%run_scoped3A : memref<!tpu.dma_semaphore, #tpu.memory_space<semaphore_mem>>)
      %dma_wait3A = arith.constant 0 : i32
      %dma_wait3A_234 = tpu.memref_slice %arg3[%mul3A_2, %dma_wait3A] : memref<32768x8xf32, #tpu.memory_space<hbm>> -> memref<1024x8xf32, #tpu.memory_space<hbm>>
      %dma_wait3A_235 = arith.constant 0 : i32
      %dma_wait3A_236 = tpu.memref_slice %arg3[%mul3A_2, %dma_wait3A_235] : memref<32768x8xf32, #tpu.memory_space<hbm>> -> memref<1024x8xf32, #tpu.memory_space<hbm>>
      tpu.wait_dma2 semaphore(%run_scoped3A : memref<!tpu.dma_semaphore, #tpu.memory_space<semaphore_mem>>) src(%arg7 : memref<1024x8xf32, #tpu.memory_space<vmem>>) dst(%dma_wait3A_236 : memref<1024x8xf32, #tpu.memory_space<hbm>>)
      tpu.yield
    }) : () -> ()
    "tpu.region"() ({
      %run_scoped3A = tpu.sem_alloc : memref<!tpu.dma_semaphore, #tpu.memory_space<semaphore_mem>>
      %dma_start3A = arith.constant 0 : i32
      %dma_start3A_231 = tpu.memref_slice %arg4[%mul3A_2, %dma_start3A] : memref<32768x2xf32, #tpu.memory_space<hbm>> -> memref<1024x2xf32, #tpu.memory_space<hbm>>
      %dma_start3A_232 = arith.constant 0 : i32
      %dma_start3A_233 = tpu.memref_slice %arg4[%mul3A_2, %dma_start3A_232] : memref<32768x2xf32, #tpu.memory_space<hbm>> -> memref<1024x2xf32, #tpu.memory_space<hbm>>
      tpu.enqueue_dma source(%arg8 : memref<1024x2xf32, #tpu.memory_space<vmem>>) target(%dma_start3A_233 : memref<1024x2xf32, #tpu.memory_space<hbm>>) target_semaphore(%run_scoped3A : memref<!tpu.dma_semaphore, #tpu.memory_space<semaphore_mem>>)
      %dma_wait3A = arith.constant 0 : i32
      %dma_wait3A_234 = tpu.memref_slice %arg4[%mul3A_2, %dma_wait3A] : memref<32768x2xf32, #tpu.memory_space<hbm>> -> memref<1024x2xf32, #tpu.memory_space<hbm>>
      %dma_wait3A_235 = arith.constant 0 : i32
      %dma_wait3A_236 = tpu.memref_slice %arg4[%mul3A_2, %dma_wait3A_235] : memref<32768x2xf32, #tpu.memory_space<hbm>> -> memref<1024x2xf32, #tpu.memory_space<hbm>>
      tpu.wait_dma2 semaphore(%run_scoped3A : memref<!tpu.dma_semaphore, #tpu.memory_space<semaphore_mem>>) src(%arg8 : memref<1024x2xf32, #tpu.memory_space<vmem>>) dst(%dma_wait3A_236 : memref<1024x2xf32, #tpu.memory_space<hbm>>)
      tpu.yield
    }) : () -> ()
    "tpu.region"() ({
      %run_scoped3A = tpu.sem_alloc : memref<!tpu.dma_semaphore, #tpu.memory_space<semaphore_mem>>
      %dma_start3A = arith.constant 0 : i32
      %dma_start3A_231 = tpu.memref_slice %arg5[%mul3A_2, %dma_start3A] : memref<32768x2xi32, #tpu.memory_space<hbm>> -> memref<1024x2xi32, #tpu.memory_space<hbm>>
      %dma_start3A_232 = arith.constant 0 : i32
      %dma_start3A_233 = tpu.memref_slice %arg5[%mul3A_2, %dma_start3A_232] : memref<32768x2xi32, #tpu.memory_space<hbm>> -> memref<1024x2xi32, #tpu.memory_space<hbm>>
      tpu.enqueue_dma source(%arg9 : memref<1024x2xi32, #tpu.memory_space<vmem>>) target(%dma_start3A_233 : memref<1024x2xi32, #tpu.memory_space<hbm>>) target_semaphore(%run_scoped3A : memref<!tpu.dma_semaphore, #tpu.memory_space<semaphore_mem>>)
      %dma_wait3A = arith.constant 0 : i32
      %dma_wait3A_234 = tpu.memref_slice %arg5[%mul3A_2, %dma_wait3A] : memref<32768x2xi32, #tpu.memory_space<hbm>> -> memref<1024x2xi32, #tpu.memory_space<hbm>>
      %dma_wait3A_235 = arith.constant 0 : i32
      %dma_wait3A_236 = tpu.memref_slice %arg5[%mul3A_2, %dma_wait3A_235] : memref<32768x2xi32, #tpu.memory_space<hbm>> -> memref<1024x2xi32, #tpu.memory_space<hbm>>
      tpu.wait_dma2 semaphore(%run_scoped3A : memref<!tpu.dma_semaphore, #tpu.memory_space<semaphore_mem>>) src(%arg9 : memref<1024x2xi32, #tpu.memory_space<vmem>>) dst(%dma_wait3A_236 : memref<1024x2xi32, #tpu.memory_space<hbm>>)
      tpu.yield
    }) : () -> ()
    return
  }
}

module attributes {stable_mosaic.version = 14 : i64} {
  func.func @_mm_body(%arg0: i32, %arg1: memref<1024x768xf32, #tpu.memory_space<vmem>>, %arg2: memref<1024x768xf32, #tpu.memory_space<vmem>>, %arg3: memref<1024x768xf32, #tpu.memory_space<vmem>>, %arg4: memref<1024x768xf32, #tpu.memory_space<vmem>>, %arg5: memref<768x8xf32, #tpu.memory_space<vmem>>, %arg6: memref<1024x8xf32, #tpu.memory_space<vmem>>, %arg7: memref<1024x8xf32, #tpu.memory_space<vmem>>, %arg8: memref<1024x8xf32, #tpu.memory_space<vmem>>, %arg9: memref<1024x8xf32, #tpu.memory_space<vmem>>) attributes {dimension_semantics = [#tpu.dimension_semantics<arbitrary>], iteration_bounds = array<i64: 8>, scalar_prefetch = 0 : i64, scratch_operands = 0 : i64, tpu.core_type = #tpu.core_type<tc>, window_params = [{transform_indices = @transform_0, window_bounds = array<i64: 1024, 768>}, {transform_indices = @transform_1, window_bounds = array<i64: 1024, 768>}, {transform_indices = @transform_2, window_bounds = array<i64: 1024, 768>}, {transform_indices = @transform_3, window_bounds = array<i64: 1024, 768>}, {pipeline_mode = #tpu.pipeline_mode<synchronous>, transform_indices = @transform_4, window_bounds = array<i64: 768, 8>}, {transform_indices = @transform_5, window_bounds = array<i64: 1024, 8>}, {transform_indices = @transform_6, window_bounds = array<i64: 1024, 8>}, {transform_indices = @transform_7, window_bounds = array<i64: 1024, 8>}, {transform_indices = @transform_8, window_bounds = array<i64: 1024, 8>}]} {
    %get3A = arith.constant 0 : index
    %get3A_0 = arith.constant 0 : index
    %get3A_1 = vector.load %arg1[%get3A, %get3A_0] : memref<1024x768xf32, #tpu.memory_space<vmem>>, vector<1024x768xf32>
    %get3A_2 = arith.constant 0 : index
    %get3A_3 = arith.constant 0 : index
    %get3A_4 = vector.load %arg5[%get3A_2, %get3A_3] : memref<768x8xf32, #tpu.memory_space<vmem>>, vector<768x8xf32>
    %dot_general3A = arith.constant dense<0.000000e+00> : vector<1024x8xf32>
    %dot_general3A_5 = tpu.matmul %get3A_1, %get3A_4, %dot_general3A {dimension_numbers = #tpu.dot_dimension_numbers<[1], [0], [0], [1], [0, 0, 1, 1], [], []>, transpose_lhs_hint = false} : vector<1024x768xf32>, vector<768x8xf32>, vector<1024x8xf32> -> vector<1024x8xf32>
    %swap3A = arith.constant 0 : index
    %swap3A_6 = arith.constant 0 : index
    %swap3A_7 = vector.load %arg6[%swap3A, %swap3A_6] : memref<1024x8xf32, #tpu.memory_space<vmem>>, vector<1024x8xf32>
    tpu.vector_store %arg6[%swap3A, %swap3A_6], %dot_general3A_5 {strides = array<i32>} : memref<1024x8xf32, #tpu.memory_space<vmem>>, vector<1024x8xf32>,
    %get3A_8 = arith.constant 0 : index
    %get3A_9 = arith.constant 0 : index
    %get3A_10 = vector.load %arg2[%get3A_8, %get3A_9] : memref<1024x768xf32, #tpu.memory_space<vmem>>, vector<1024x768xf32>
    %get3A_11 = arith.constant 0 : index
    %get3A_12 = arith.constant 0 : index
    %get3A_13 = vector.load %arg5[%get3A_11, %get3A_12] : memref<768x8xf32, #tpu.memory_space<vmem>>, vector<768x8xf32>
    %dot_general3A_14 = arith.constant dense<0.000000e+00> : vector<1024x8xf32>
    %dot_general3A_15 = tpu.matmul %get3A_10, %get3A_13, %dot_general3A_14 {dimension_numbers = #tpu.dot_dimension_numbers<[1], [0], [0], [1], [0, 0, 1, 1], [], []>, transpose_lhs_hint = false} : vector<1024x768xf32>, vector<768x8xf32>, vector<1024x8xf32> -> vector<1024x8xf32>
    %swap3A_16 = arith.constant 0 : index
    %swap3A_17 = arith.constant 0 : index
    %swap3A_18 = vector.load %arg7[%swap3A_16, %swap3A_17] : memref<1024x8xf32, #tpu.memory_space<vmem>>, vector<1024x8xf32>
    tpu.vector_store %arg7[%swap3A_16, %swap3A_17], %dot_general3A_15 {strides = array<i32>} : memref<1024x8xf32, #tpu.memory_space<vmem>>, vector<1024x8xf32>,
    %get3A_19 = arith.constant 0 : index
    %get3A_20 = arith.constant 0 : index
    %get3A_21 = vector.load %arg3[%get3A_19, %get3A_20] : memref<1024x768xf32, #tpu.memory_space<vmem>>, vector<1024x768xf32>
    %get3A_22 = arith.constant 0 : index
    %get3A_23 = arith.constant 0 : index
    %get3A_24 = vector.load %arg5[%get3A_22, %get3A_23] : memref<768x8xf32, #tpu.memory_space<vmem>>, vector<768x8xf32>
    %dot_general3A_25 = arith.constant dense<0.000000e+00> : vector<1024x8xf32>
    %dot_general3A_26 = tpu.matmul %get3A_21, %get3A_24, %dot_general3A_25 {dimension_numbers = #tpu.dot_dimension_numbers<[1], [0], [0], [1], [0, 0, 1, 1], [], []>, transpose_lhs_hint = false} : vector<1024x768xf32>, vector<768x8xf32>, vector<1024x8xf32> -> vector<1024x8xf32>
    %swap3A_27 = arith.constant 0 : index
    %swap3A_28 = arith.constant 0 : index
    %swap3A_29 = vector.load %arg8[%swap3A_27, %swap3A_28] : memref<1024x8xf32, #tpu.memory_space<vmem>>, vector<1024x8xf32>
    tpu.vector_store %arg8[%swap3A_27, %swap3A_28], %dot_general3A_26 {strides = array<i32>} : memref<1024x8xf32, #tpu.memory_space<vmem>>, vector<1024x8xf32>,
    %get3A_30 = arith.constant 0 : index
    %get3A_31 = arith.constant 0 : index
    %get3A_32 = vector.load %arg4[%get3A_30, %get3A_31] : memref<1024x768xf32, #tpu.memory_space<vmem>>, vector<1024x768xf32>
    %get3A_33 = arith.constant 0 : index
    %get3A_34 = arith.constant 0 : index
    %get3A_35 = vector.load %arg5[%get3A_33, %get3A_34] : memref<768x8xf32, #tpu.memory_space<vmem>>, vector<768x8xf32>
    %dot_general3A_36 = arith.constant dense<0.000000e+00> : vector<1024x8xf32>
    %dot_general3A_37 = tpu.matmul %get3A_32, %get3A_35, %dot_general3A_36 {dimension_numbers = #tpu.dot_dimension_numbers<[1], [0], [0], [1], [0, 0, 1, 1], [], []>, transpose_lhs_hint = false} : vector<1024x768xf32>, vector<768x8xf32>, vector<1024x8xf32> -> vector<1024x8xf32>
    %swap3A_38 = arith.constant 0 : index
    %swap3A_39 = arith.constant 0 : index
    %swap3A_40 = vector.load %arg9[%swap3A_38, %swap3A_39] : memref<1024x8xf32, #tpu.memory_space<vmem>>, vector<1024x8xf32>
    tpu.vector_store %arg9[%swap3A_38, %swap3A_39], %dot_general3A_37 {strides = array<i32>} : memref<1024x8xf32, #tpu.memory_space<vmem>>, vector<1024x8xf32>,
    return
  }
  func.func @transform_0(%arg0: i32) -> (i32, i32) {
    %add3A = arith.constant 0 : i32
    %add3A_0 = arith.addi %arg0, %add3A : i32
    %c0_i32 = arith.constant 0 : i32
    %c0_i32_1 = arith.constant 0 : i32
    return %add3A_0, %c0_i32 : i32, i32
  }
  func.func @transform_1(%arg0: i32) -> (i32, i32) {
    %add3A = arith.constant 8 : i32
    %add3A_0 = arith.addi %arg0, %add3A : i32
    %c0_i32 = arith.constant 0 : i32
    %c0_i32_1 = arith.constant 0 : i32
    return %add3A_0, %c0_i32 : i32, i32
  }
  func.func @transform_2(%arg0: i32) -> (i32, i32) {
    %add3A = arith.constant 16 : i32
    %add3A_0 = arith.addi %arg0, %add3A : i32
    %c0_i32 = arith.constant 0 : i32
    %c0_i32_1 = arith.constant 0 : i32
    return %add3A_0, %c0_i32 : i32, i32
  }
  func.func @transform_3(%arg0: i32) -> (i32, i32) {
    %add3A = arith.constant 24 : i32
    %add3A_0 = arith.addi %arg0, %add3A : i32
    %c0_i32 = arith.constant 0 : i32
    %c0_i32_1 = arith.constant 0 : i32
    return %add3A_0, %c0_i32 : i32, i32
  }
  func.func @transform_4(%arg0: i32) -> (i32, i32) {
    %c0_i32 = arith.constant 0 : i32
    %c0_i32_0 = arith.constant 0 : i32
    %c0_i32_1 = arith.constant 0 : i32
    return %c0_i32, %c0_i32_0 : i32, i32
  }
  func.func @transform_5(%arg0: i32) -> (i32, i32) {
    %c0_i32 = arith.constant 0 : i32
    %c0_i32_0 = arith.constant 0 : i32
    return %arg0, %c0_i32 : i32, i32
  }
  func.func @transform_6(%arg0: i32) -> (i32, i32) {
    %c0_i32 = arith.constant 0 : i32
    %c0_i32_0 = arith.constant 0 : i32
    return %arg0, %c0_i32 : i32, i32
  }
  func.func @transform_7(%arg0: i32) -> (i32, i32) {
    %c0_i32 = arith.constant 0 : i32
    %c0_i32_0 = arith.constant 0 : i32
    return %arg0, %c0_i32 : i32, i32
  }
  func.func @transform_8(%arg0: i32) -> (i32, i32) {
    %c0_i32 = arith.constant 0 : i32
    %c0_i32_0 = arith.constant 0 : i32
    return %arg0, %c0_i32 : i32, i32
  }
}

</mosaic_0001>

<sc_bundles>
// kernel: kernel.4.cloned.1.call-start
scs
__scs_entry_jumppad:
0x0: {  	(pc) =	sbr.rel $0x88, $3  }
0x1: {  	(tag) =	ssettag $0x0;
	lr =	simm.s32 $0x1  }
0x2: {  	[smem:$0x3F9F] =	sst lr;
	_ =	strace $0xD0000000  }
0x3: {  	_ = 	snop  }
0x4: {  	_ = 	snop  }
0x5: {  	_ = 	snop  }
0x6: {  	_ = 	snop  }
0x7: {  	_ = 	snop  }
__scs_overlays_trampoline_lowered:
0x8: {  	[smem:$0x3FAE] =	sst s0  }
0x9: {  	[smem:$0x3FAF] =	sst s1  }
0xa: {  	[smem:$0x3FB0] =	sst s2  }
0xb: {  	[smem:$0x3FB1] =	sst s3  }
0xc: {  	[smem:$0x3FB2] =	sst s4  }
0xd: {  	[smem:$0x3FB3] =	sst s5  }
0xe: {  	[smem:$0x3FB4] =	sst s6  }
0xf: {  	[smem:$0x3FB5] =	sst s7  }
0x10: {  	[smem:$0x3FB6] =	sst s8  }
0x11: {  	[smem:$0x3FB7] =	sst s9;
	s0 =	simm.s32 @!p0 $0x0  }
0x12: {  	s1 =	sld [smem:$0x3F9D];
	s0 =	simm.s32 @p0 $0x1  }
0x13: {  	[smem:$0x3FB8] =	sst s0;
	s0 =	simm.s32 @!p1 $0x0  }
0x14: {  	s2 =	sld [smem:$0x3F9C];
	s0 =	simm.s32 @p1 $0x1  }
0x15: {  	[smem:$0x3FB9] =	sst s0;
	s0 =	simm.s32 @!p2 $0x0  }
0x16: {  	s3 =	sld [smem:$0x3FDB];
	s0 =	simm.s32 @p2 $0x1  }
0x17: {  	s4 =	simm.s32 $0x1BF5;
	[smem:$0x3FBB] =	sst s0  }
0x18: {  	s0 =	sld [smem:$0x3F9E];
	_ =	swait.ge [sflag:s4], $0x0  }
0x19: {  	s7 =	sld [smem:$0x3F9F]  }
0x1a: {  	s8 =	sadd.s32 $0xFFFFE003, lr  }
0x1b: {  	s9 =	sadd.s32 $0xFFFFFEF7, lr;
	s5 =	simm.s32 $0xFFFFFFFF;
	p2 =	slt.u32 s8, $0xFFFFF086  }
0x1c: {  	p1 =	slt.u32 s9, $0xF7A;
	s5 =	simm.s32 @!p2 $0x0  }
0x1d: {  	s5 =	simm.s32 @p1 $0x1;
	p0 =	seq.s32 s7, s2  }
0x1e: {  	s7 =	smul.u32 @!p0 $0xF7A, s2;
	p2 =	seq.s32 @!p0 s5, $0x0  }
0x1f: {  	s9 =	smul.u32 $0xF7A, s1;
	s8 =	simm.s32 @!p0 $0x1BF5;
	p2 =	por !p2, p0  }
0x20: {  	[sflag:s8] =	ssyncset.s32 @!p0 $0xFFFFF086;
	s6 =	sadd.s32 @!p0 s3, s7;
	s7 =	simm.s32 @!p0 $0x108  }
0x21: {  	s3 =	sadd.s32 s3, s9;
	s6 =	sadd.s32 @!p0 $0x88, s6;
	s7 =	simm.s32 @p2 $0x1082  }
0x22: {  	[simem:s7], [sflag:s8] =	dma.local @!p0 [hbm:s6], $0xF7A  }
0x23: {  	s9 =	sor.u32 $0xD0000000, s2;
	s6 =	simm.s32 $0x108;
	_ =	swait.ge @!p0 [sflag:s8], $0x0  }
0x24: {  	s3 =	sadd.s32 $0x88, s3;
	s6 =	simm.s32 @!p1 $0x1082;
	[sflag:s4] =	ssyncset.s32 $0xFFFFF086  }
0x25: {  	[simem:s6], [sflag:s4] =	dma.local [hbm:s3], $0xF7A  }
0x26: {  	[smem:$0x3F9F] =	sst s1;
	(tag) =	ssettag s2;
	_ =	strace s9  }
0x27: {  	s1 =	sld [smem:$0x3FAF]  }
0x28: {  	s2 =	sld [smem:$0x3FB0]  }
0x29: {  	s4 =	sld [smem:$0x3FB2]  }
0x2a: {  	p0 =	seq.s32 s5, $0x0;
	s5 =	sld [smem:$0x3FB3]  }
0x2b: {  	s6 =	sld [smem:$0x3FB4]  }
0x2c: {  	s7 =	sld [smem:$0x3FB5]  }
0x2d: {  	s3 =	simm.s32 $0x108;
	s8 =	sld [smem:$0x3FB6]  }
0x2e: {  	s3 =	simm.s32 @!p0 $0x1082;
	s9 =	sld [smem:$0x3FB7]  }
0x2f: {  	lr =	sadd.s32 s0, s3;
	s0 =	sld [smem:$0x3FAE]  }
0x30: {  	s3 =	sld [smem:$0x3FB1]  }
0x31: {  	[smem:$0x3FBA] =	sst s10  }
0x32: {  	s10 =	sld [smem:$0x3FB8];
	_ =	sdelay $0x3  }
0x33: {  	p0 =	seq.s32 s10, $0x1;
	s10 =	sld [smem:$0x3FBA];
	_ =	sdelay $0x3  }
0x34: {  	[smem:$0x3FBA] =	sst s10  }
0x35: {  	s10 =	sld [smem:$0x3FB9];
	_ =	sdelay $0x3  }
0x36: {  	p1 =	seq.s32 s10, $0x1;
	s10 =	sld [smem:$0x3FBA];
	_ =	sdelay $0x3  }
0x37: {  	[smem:$0x3FBA] =	sst s10  }
0x38: {  	s10 =	sld [smem:$0x3FBB]  }
0x39: {  	_ = 	snop;
	(pc) =	sbr.ind lr, $3  }
0x3a: {  	_ = 	snop  }
0x3b: {  	_ = 	snop  }
0x3c: {  	p2 =	seq.s32 s10, $0x1;
	s10 =	sld [smem:$0x3FBA]  }
0x3d: {  	_ =	shalt  }
0x3e: {  	_ =	shalt  }
0x3f: {  	_ =	shalt  }
0x40: {  	_ =	shalt  }
0x41: {  	_ =	shalt  }
0x42: {  	_ =	shalt  }
0x43: {  	_ =	shalt  }
0x44: {  	_ =	shalt  }
0x45: {  	_ =	shalt  }
0x46: {  	_ =	shalt  }
0x47: {  	_ =	shalt  }
0x48: {  	_ =	shalt  }
0x49: {  	_ =	shalt  }
0x4a: {  	_ =	shalt  }
0x4b: {  	_ =	shalt  }
0x4c: {  	_ =	shalt  }
0x4d: {  	_ =	shalt  }
0x4e: {  	_ =	shalt  }
0x4f: {  	_ =	shalt  }
0x50: {  	_ =	shalt  }
0x51: {  	_ =	shalt  }
0x52: {  	_ =	shalt  }
0x53: {  	_ =	shalt  }
0x54: {  	_ =	shalt  }
0x55: {  	_ =	shalt  }
0x56: {  	_ =	shalt  }
0x57: {  	_ =	shalt  }
0x58: {  	_ =	shalt  }
0x59: {  	_ =	shalt  }
0x5a: {  	_ =	shalt  }
0x5b: {  	_ =	shalt  }
0x5c: {  	_ =	shalt  }
0x5d: {  	_ =	shalt  }
0x5e: {  	_ =	shalt  }
0x5f: {  	_ =	shalt  }
0x60: {  	_ =	shalt  }
0x61: {  	_ =	shalt  }
0x62: {  	_ =	shalt  }
0x63: {  	_ =	shalt  }
0x64: {  	_ =	shalt  }
0x65: {  	_ =	shalt  }
0x66: {  	_ =	shalt  }
0x67: {  	_ =	shalt  }
0x68: {  	_ =	shalt  }
0x69: {  	_ =	shalt  }
0x6a: {  	_ =	shalt  }
0x6b: {  	_ =	shalt  }
0x6c: {  	_ =	shalt  }
0x6d: {  	_ =	shalt  }
0x6e: {  	_ =	shalt  }
0x6f: {  	_ =	shalt  }
0x70: {  	_ =	shalt  }
0x71: {  	_ =	shalt  }
0x72: {  	_ =	shalt  }
0x73: {  	_ =	shalt  }
0x74: {  	_ =	shalt  }
0x75: {  	_ =	shalt  }
0x76: {  	_ =	shalt  }
0x77: {  	_ =	shalt  }
0x78: {  	_ =	shalt  }
0x79: {  	_ =	shalt  }
0x7a: {  	_ =	shalt  }
0x7b: {  	_ =	shalt  }
0x7c: {  	_ =	shalt  }
0x7d: {  	_ =	shalt  }
0x7e: {  	_ =	shalt  }
0x7f: {  	_ =	shalt  }
0x80: {  	_ =	shalt  }
0x81: {  	_ =	shalt  }
0x82: {  	_ =	shalt  }
0x83: {  	_ =	shalt  }
0x84: {  	_ =	shalt  }
0x85: {  	_ =	shalt  }
0x86: {  	_ =	shalt  }
0x87: {  	_ =	shalt  }
.Lfunc_end0:
.L_simem_size_0:
called_computation_lowered:
.L_overlay_start_0:
0x88: {  	s2 =	sld [smem:$0x3FD9]  }
0x89: {  	s3 =	sld [smem:$0x3FFE];
	_ =	sdelay $0x1  }
0x8a: {  	s1 =	srdreg.scid  }
0x8b: {  	s0 =	sand.u32 $0x1, s1  }
0x8c: {  	s14 =	sshll.u32 s0, $0xA;
	s2 =	sadd.s32 s3, s2  }
0x8d: {  	s2 =	sadd.s32 s2, s14  }
0x8e: {  	[smem:$0x3FC6] =	sst s2  }
0x8f: {  	_ = 	snop  }
0x90: {  	s2 =	sld [smem:$0x3FD0];
	_ =	sdelay $0x2  }
0x91: {  	s15 =	simm.s32 $0xA;
	s4 =	simm.s32 $0x10  }
0x92: {  	[smem:s4], [sflag:s15] =	dma.local [hbm:s2], $0x1  }
0x93: {  	_ =	swait.eq [sflag:s15], $0x1  }
0x94: {  	[sflag:s15] =	ssyncset.done $0x0  }
0x95: {  	[sflag:s15] =	ssyncadd.s32 $0xFFFFFFFF  }
0x96: {  	s16 =	sld [smem:$0x10];
	(tm) =	ssettm $0x1  }
0x97: {  	s17 =	sld [smem:$0x3FFB];
	_ =	sdelay $0x3  }
0x98: {  	_ =	strace s17  }
0x99: {  	s3 =	sld [smem:$0x3FFC];
	_ =	sdelay $0x3  }
0x9a: {  	_ =	strace s3  }
0x9b: {  	s3 =	sld [smem:$0x3FFD];
	_ =	sdelay $0x3  }
0x9c: {  	_ =	strace s3  }
0x9d: {  	_ =	strace $0x8FFFFFFF  }
0x9e: {  	s18 =	sld [smem:$0x3FDB];
	_ =	sdelay $0x1  }
0x9f: {  	s19 =	simm.s32 $_scs_section_size  }
0xa0: {  	s5 =	simm.s32 $_size__tile_overlayer_lowered;
	s6 =	simm.s32 $_tile_overlayer_lowered  }
0xa1: {  	s22 =	simm.s32 $0x1BFF;
	s21 =	sshll.u32 s6, $0x1;
	s3 =	sadd.s32 s19, s18  }
0xa2: {  	s7 =	simm.s32 $0x0;
	s20 =	sshll.u32 s5, $0x1;
	s5 =	sadd.s32 s21, s3  }
0xa3: {  	[timem:s7], [sflag:s22] =	dma.local [hbm:s5], s20  }
0xa4: {  	_ =	swait.ge [sflag:s22], s20  }
0xa5: {  	s4 =	ssub.s32 $0x0, s20;
	[sflag:s22] =	ssyncset.done $0x0  }
0xa6: {  	[sflag:s22] =	ssyncadd.s32 s4;
	_ =	sdelay $0x1  }
0xa7: {  	s23 =	simm.s32 $0x1B8B  }
0xa8: {  	_ =	swait.ge [sflag:s23], $0x1  }
0xa9: {  	[sflag:s23] =	ssyncset.done $0x0  }
0xaa: {  	s25 =	simm.s32 $0x1B8E;
	s24 =	sld [smem:$0x3FFE];
	[sflag:s23] =	ssyncadd.s32 $0xFFFFFFFF  }
0xab: {  	s26 =	simm.s32 $execute0_lowered;
	[smem:$0x3FD2] =	sst s25  }
0xac: {  	s5 =	sshll.u32 s26, $0x1;
	_ =	strace $0x80000046;
	[dreg:$0x1] =	wrdreg $0xFFFFFFFF  }
0xad: {  	s28 =	simm.s32 $_size_execute0_lowered;
	s3 =	sadd.s32 s3, s5;
	[dreg:$0x0] =	wrdreg $0x0  }
0xae: {  	s5 =	sshll.u32 s28, $0x1;
	[dreg:$0x2] =	wrdreg s3  }
0xaf: {  	[dreg:$0x3] =	wrdreg s5  }
0xb0: {  	[dreg:$0x4] =	wrdreg $0xC0  }
0xb1: {  	_ =	task [dreg:s7], $0x5FFFF  }
0xb2: {  	[dreg:$0x1] =	wrdreg $0xFFFFFFFF  }
0xb3: {  	[dreg:$0x0] =	wrdreg $0x60  }
0xb4: {  	[dreg:$0x2] =	wrdreg s24  }
0xb5: {  	[dreg:$0x3] =	wrdreg s16  }
0xb6: {  	[dreg:$0x4] =	wrdreg $0x9  }
0xb7: {  	_ =	task.clear_ibuf [dreg:s7], $0x5FFFF;
	_ =	strace $0x90000046  }
0xb8: {  	s29 =	simm.s32 $0x9;
	_ =	strace $0x80000048  }
0xb9: {  	_ =	swait.ge [sflag:s29], $0x1  }
0xba: {  	[sflag:s29] =	ssyncadd.s32 $0xFFFFFFFF  }
0xbb: {  	_ =	strace $0x90000048  }
0xbc: {  	_ =	sfence  }
0xbd: {  	s30 =	sld [smem:$0x0];
	_ =	sdelay $0x2  }
0xbe: {  	s31 =	sshll.u32 s1, $0xD;
	s1 =	sshrl.u32 s1, $0x2  }
0xbf: {  	s3 =	sand.u32 $0x4000, s31;
	s1 =	sadd.s32 s1, s30  }
0xc0: {  	s0 =	sor.u32 s3, s0;
	s1 =	sshll.u32 s1, $0x11  }
0xc1: {  	s0 =	sor.u32 s1, s0  }
0xc2: {  	s0 =	sadd.s32 $0x8F2B, s0  }
0xc3: {  	[sflag:s0] =	ssyncadd.remote.s32 $0x1  }
0xc4: {  	_ =	sfence.sel $0xFFFF  }
0xc5: {  	[dreg:$0x0] =	wrdreg $0xFFFFFFFF;
	(pc) =	sbr.abs _section_cstart, $3  }
0xc6: {  	[dreg:$0x1] =	wrdreg $0xFFFFFFFF  }
0xc7: {  	_ =	task.clear_ibuf [dreg:s7], $0x2FFFF;
	_ =	strace $0x9FFFFFFF  }
0xc8: {  	(tm) =	ssettm $0x7FFFFFFF  }
0xc9: {  	_ =	shalt  }
tec
execute0_lowered:
.L_overlay_start_1:
0x0: {  	(tag) =	ssettag $0x1  }
0x1: {  	s1 =	srdreg.scid  }
0x2: {  	s0 =	stileid.u32;
	s8 =	sand.u32 $0x1, s1  }
0x3: {  	s31 =	sshll.u32 s0, $0xB;
	s2 =	sshll.u32 s8, $0xA  }
0x4: {  	s10 =	rddreg [dreg:$0x0];
	s11 =	sor.u32 s2, s31  }
0x5: {  	s12 =	rddreg [dreg:$0x1];
	s3 =	smul.u32 $0x60, s11  }
0x6: {  	v0 =	vlaneseq.u32;
	s5 =	simm.s32 $0x8;
	s1 =	rddreg [dreg:$0x2];
	s2 =	simm.s32 $0x0  }
0x7: {  	s6 =	simm.s32 $0x300;
	v0 =	vmul.u32 $0x8, v0;
	[smem:$0x7FF] =	sst s2;
	s3 =	sadd.s32 s3, s10  }
0x8: {  	_ =	strace $0x80000047;
	s4 =	sadd.s32 $0x1000, s3;
	s3 =	simm.s32 $0x1  }
0x9: {  	v1 =	vor.u32 $0x1, v0;
	[tilespmem:s2], [sflag:$0x1] =	stream.strided.gather [hbm4b:s4+s5], $0x2000, s6, s5, $0x38;
	[tilespmem:$0x8000] =	vst v63  }
0xa: {  	v2 =	vor.u32 $0x2, v0;
	_ =	swait.ge [sflag:s3], $0x2000  }
0xb: {  	v3 =	vor.u32 $0x3, v0;
	[sflag:s3] =	ssyncset.done $0x0  }
0xc: {  	v4 =	vor.u32 $0x4, v0;
	[sflag:s3] =	ssyncadd.s32 $0xFFFFE000  }
0xd: {  	v5 =	vor.u32 $0x5, v0;
	v8 =	vld.idx.msk [tilespmem:v0+s2+$0x0], $0xffff  }
0xe: {  	v6 =	vor.u32 $0x6, v0;
	v9 =	vld.idx.msk [tilespmem:v1+s2+$0x0], $0xffff  }
0xf: {  	v7 =	vor.u32 $0x7, v0;
	v10 =	vld.idx.msk [tilespmem:v2+s2+$0x0], $0xffff  }
0x10: {  	v11 =	vld.idx.msk [tilespmem:v3+s2+$0x0], $0xffff  }
0x11: {  	v12 =	vld.idx.msk [tilespmem:v4+s2+$0x0], $0xffff  }
0x12: {  	v13 =	vld.idx.msk [tilespmem:v5+s2+$0x0], $0xffff  }
0x13: {  	v14 =	vld.idx.msk [tilespmem:v6+s2+$0x0], $0xffff;
	v15 =	vmax.f32 v8, v9  }
0x14: {  	v16 =	vld.idx.msk [tilespmem:v7+s2+$0x0], $0xffff;
	v15 =	vmax.f32 v15, v10  }
0x15: {  	v15 =	vmax.f32 v15, v11  }
0x16: {  	v15 =	vmax.f32 v15, v12  }
0x17: {  	v15 =	vmax.f32 v15, v13  }
0x18: {  	v15 =	vmax.f32 v15, v14  }
0x19: {  	v15 =	vmax.f32 v15, v16  }
0x1a: {  	v8 =	vsub.f32 v8, v15  }
0x1b: {  	v9 =	vsub.f32 v9, v15  }
0x1c: {  	v8 =	vmul.f32 $1.442695020e+00, v8  }
0x1d: {  	v10 =	vsub.f32 v10, v15;
	v9 =	vmul.f32 $1.442695020e+00, v9  }
0x1e: {  	(erf) = vpow2.f32 v8  }
0x1f: {  	v10 =	vmul.f32 $1.442695020e+00, v10;
	v8 =	vsub.f32 v11, v15;
	(erf) = vpow2.f32 v9;
	_ =	sdelay $0x1  }
0x20: {  	v9 =	vsub.f32 v12, v15;
	v8 =	vmul.f32 $1.442695020e+00, v8;
	(erf) = vpow2.f32 v10  }
0x21: {  	v10 =	vsub.f32 v13, v15  }
0x22: {  	v9 =	vmul.f32 $1.442695020e+00, v9;
	(erf) = vpow2.f32 v8  }
0x23: {  	v8 =	vsub.f32 v14, v15;
	v10 =	vmul.f32 $1.442695020e+00, v10  }
0x24: {  	(erf) = vpow2.f32 v9  }
0x25: {  	v9 =	vsub.f32 v16, v15;
	v8 =	vmul.f32 $1.442695020e+00, v8  }
0x26: {  	v11 =	vpop (erf);
	(erf) = vpow2.f32 v10  }
0x27: {  	v9 =	vmul.f32 $1.442695020e+00, v9;
	v10 =	vpop (erf)  }
0x28: {  	(erf) = vpow2.f32 v8;
	v51 =	vadd.f32 v10, v11  }
0x29: {  	v8 =	vpop (erf)  }
0x2a: {  	(erf) = vpow2.f32 v9;
	v12 =	vadd.f32 v51, v8  }
0x2b: {  	v9 =	vpop (erf)  }
0x2c: {  	v12 =	vadd.f32 v12, v9  }
0x2d: {  	v52 =	vpop (erf)  }
0x2e: {  	v12 =	vadd.f32 v12, v52  }
0x2f: {  	v53 =	vpop (erf)  }
0x30: {  	v12 =	vadd.f32 v12, v53  }
0x31: {  	v54 =	vpop (erf)  }
0x32: {  	v12 =	vadd.f32 v12, v54  }
0x33: {  	v55 =	vpop (erf)  }
0x34: {  	v12 =	vadd.f32 v12, v55;
	_ =	sdelay $0x1  }
0x35: {  	(erf) = vrcp.f32 v12;
	_ =	sdelay $0x8  }
0x36: {  	v12 =	vpop (erf)  }
0x37: {  	v11 =	vmul.f32 v12, v11;
	v10 =	vmul.f32 v12, v10  }
0x38: {  	v17 =	vmul.f32 v12, v8  }
0x39: {  	v9 =	vmul.f32 v12, v9;
	v8 =	vmax.f32 v11, v10  }
0x3a: {  	v13 =	vmul.f32 v12, v52;
	v8 =	vmax.f32 v8, v17  }
0x3b: {  	v14 =	vmul.f32 v12, v53;
	v8 =	vmax.f32 v8, v9  }
0x3c: {  	v15 =	vmul.f32 v12, v54;
	v8 =	vmax.f32 v8, v13  }
0x3d: {  	v12 =	vmul.f32 v12, v55;
	v8 =	vmax.f32 v8, v14  }
0x3e: {  	v8 =	vmax.f32 v8, v15  }
0x3f: {  	v16 =	vmax.f32 v8, v12  }
0x40: {  	v8 =	vimm.s32 $0x8;
	vm0 =	veq.f32 v12, v16  }
0x41: {  	vm1 =	veq.f32 v15, v16;
	v18 =	vsel vm0, $0x7, v8  }
0x42: {  	vm14 =	veq.f32 v14, v16;
	v18 =	vsel vm1, $0x6, v18  }
0x43: {  	vm15 =	veq.f32 v13, v16;
	v18 =	vsel vm14, $0x5, v18  }
0x44: {  	vm4 =	veq.f32 v9, v16;
	v18 =	vsel vm15, $0x4, v18  }
0x45: {  	vm5 =	veq.f32 v17, v16;
	v18 =	vsel vm4, $0x3, v18  }
0x46: {  	vm2 =	veq.f32 v10, v16;
	vm0 =	vne.f32 v11, v16;
	v18 =	vsel vm5, $0x2, v18  }
0x47: {  	v19 =	vmax.f32 v11, $-3.000000010e+38;
	vm6 =	vmand vm0, vm2;
	v18 =	vsel vm2, $0x1, v18  }
0x48: {  	v19 =	vnsel vm0, $0xFF61B1E6, v19;
	v20 =	vsel vm6, $0xFF61B1E6, v10;
	v18 =	vnsel vm0, $0x0, v18  }
0x49: {  	v19 =	vmax.f32 v19, v20;
	vm7 =	veq.s32 v18, $0x2  }
0x4a: {  	vm8 =	veq.s32 v18, $0x3;
	vm9 =	veq.s32 v18, $0x4;
	v56 =	vsel vm7, $0xFF61B1E6, v17  }
0x4b: {  	vm10 =	veq.s32 v18, $0x5;
	v57 =	vsel vm8, $0xFF61B1E6, v9;
	v19 =	vmax.f32 v19, v56  }
0x4c: {  	vm11 =	veq.s32 v18, $0x6;
	v58 =	vsel vm9, $0xFF61B1E6, v13;
	v19 =	vmax.f32 v19, v57  }
0x4d: {  	vm12 =	veq.s32 v18, $0x7;
	v59 =	vsel vm10, $0xFF61B1E6, v14;
	v19 =	vmax.f32 v19, v58  }
0x4e: {  	vm13 =	vne.s32 v18, $0x4;
	v60 =	vsel vm11, $0xFF61B1E6, v15;
	v19 =	vmax.f32 v19, v59  }
0x4f: {  	s7 =	simm.s32 $0x2000;
	vm1 =	vne.s32 v18, $0x1;
	v61 =	vsel vm12, $0xFF61B1E6, v12;
	v19 =	vmax.f32 v19, v60  }
0x50: {  	[tilespmem:v0+s7+$0x0] =	vst.idx.msk $0xffff, v11;
	vm4 =	vne.s32 v18, $0x7;
	vm5 =	vne.s32 v18, $0x6;
	v19 =	vmax.f32 v19, v61  }
0x51: {  	[tilespmem:v1+s7+$0x0] =	vst.idx.msk $0xffff, v10;
	vm14 =	vne.s32 v18, $0x5;
	vm10 =	vne.s32 v18, $0x2;
	vm3 =	veq.f32 v12, v19  }
0x52: {  	s9 =	ssub.s32 $0x2, s8;
	[tilespmem:v2+s7+$0x0] =	vst.idx.msk $0xffff, v17;
	vm11 =	vne.s32 v18, $0x3;
	vm6 =	veq.f32 v15, v19;
	vm3 =	vmand vm4, vm3  }
0x53: {  	s13 =	sshrl.u32 s9, $0x1;
	[tilespmem:v3+s7+$0x0] =	vst.idx.msk $0xffff, v9;
	vm15 =	veq.f32 v14, v19;
	vm5 =	vmand vm5, vm6;
	v62 =	vsel vm3, $0x7, v8  }
0x54: {  	s9 =	ssub.s32 s9, s13;
	[tilespmem:v4+s7+$0x0] =	vst.idx.msk $0xffff, v13;
	vm9 =	veq.f32 v13, v19;
	vm4 =	vmand vm14, vm15;
	v63 =	vsel vm5, $0x6, v62  }
0x55: {  	s13 =	smax.u32 s9, $0x1;
	[tilespmem:v5+s7+$0x0] =	vst.idx.msk $0xffff, v14;
	vm12 =	veq.f32 v9, v19;
	vm2 =	vmand vm13, vm9;
	v9 =	vsel vm4, $0x5, v63  }
0x56: {  	p0 =	sne.s32 s13, $0x1;
	[tilespmem:v6+s7+$0x0] =	vst.idx.msk $0xffff, v15;
	vm13 =	veq.f32 v17, v19;
	vm5 =	vmand vm11, vm12;
	v9 =	vsel vm2, $0x4, v9  }
.Ltmp0:
0x57: {  	s8 =	simm.s32 $0x4000;
	[tilespmem:v7+s7+$0x0] =	vst.idx.msk $0xffff, v12;
	vm14 =	veq.f32 v10, v19;
	vm3 =	vmand vm10, vm13;
	v9 =	vsel vm5, $0x3, v9;
	(pc) =	sbr.rel @!p0 .LBB2_2-.Ltmp0, $4  }
0x58: {  	[tilespmem:v0+s8+$0x0] =	vst.idx.msk $0xffff, v16;
	vm15 =	veq.f32 v11, v19;
	vm1 =	vmand vm1, vm14;
	v9 =	vsel vm3, $0x2, v9  }
0x59: {  	s9 =	simm.s32 $0x6000;
	[tilespmem:v1+s8+$0x0] =	vst.idx.msk $0xffff, v19;
	vm0 =	vmand vm0, vm15;
	v9 =	vsel vm1, $0x1, v9  }
0x5a: {  	s10 =	sadd.s32 s11, s10;
	s11 =	sadd.s32 s12, s11;
	[tilespmem:v0+s9+$0x0] =	vst.idx.msk $0xffff, v18;
	v9 =	vsel vm0, $0x0, v9  }
0x5b: {  	s13 =	sadd.s32 $0xFFFFFFFF, s13;
	s12 =	sadd.s32 $0x301000, s10;
	s10 =	sadd.s32 $0x309000, s10;
	[tilespmem:v1+s9+$0x0] =	vst.idx.msk $0xffff, v9  }
.LBB2_1:
0x5c: {  	[hbm4b:s11+s2] =	stream.linear.scatter [tilespmem:s7], [sflag:$0x1], $0x2000, $0x38;
	[tilespmem:$0x8000] =	vst v63  }
0x5d: {  	p0 =	sne.s32 s13, $0x1;
	s13 =	sadd.s32 $0xFFFFFFFF, s13;
	_ =	swait.ge [sflag:s3], $0x2000  }
0x5e: {  	[sflag:s3] =	ssyncset.done $0x0  }
0x5f: {  	[sflag:s3] =	ssyncadd.s32 $0xFFFFE000  }
0x60: {  	[hbm4b:s12+s2] =	stream.linear.scatter [tilespmem:s8], [sflag:$0x1], $0x2000, $0x38;
	[tilespmem:$0x8000] =	vst v63  }
0x61: {  	_ =	swait.ge [sflag:s3], $0x2000  }
0x62: {  	[sflag:s3] =	ssyncset.done $0x0  }
0x63: {  	[sflag:s3] =	ssyncadd.s32 $0xFFFFE000  }
0x64: {  	[hbm4b:s10+s2] =	stream.linear.scatter [tilespmem:s9], [sflag:$0x1], $0x2000, $0x38;
	[tilespmem:$0x8000] =	vst v63  }
0x65: {  	_ =	swait.ge [sflag:s3], $0x2000  }
0x66: {  	[sflag:s3] =	ssyncset.done $0x0  }
0x67: {  	[sflag:s3] =	ssyncadd.s32 $0xFFFFE000  }
0x68: {  	[tilespmem:s2], [sflag:$0x1] =	stream.strided.gather [hbm4b:s4+s5], $0x2000, s6, s5, $0x38;
	[tilespmem:$0x8000] =	vst v63  }
0x69: {  	_ =	swait.ge [sflag:s3], $0x2000  }
0x6a: {  	[sflag:s3] =	ssyncset.done $0x0  }
0x6b: {  	[sflag:s3] =	ssyncadd.s32 $0xFFFFE000  }
0x6c: {  	v9 =	vld.idx.msk [tilespmem:v0+s2+$0x0], $0xffff  }
0x6d: {  	v10 =	vld.idx.msk [tilespmem:v1+s2+$0x0], $0xffff  }
0x6e: {  	v11 =	vld.idx.msk [tilespmem:v2+s2+$0x0], $0xffff  }
0x6f: {  	v12 =	vld.idx.msk [tilespmem:v3+s2+$0x0], $0xffff  }
0x70: {  	v13 =	vld.idx.msk [tilespmem:v4+s2+$0x0], $0xffff  }
0x71: {  	v14 =	vld.idx.msk [tilespmem:v5+s2+$0x0], $0xffff  }
0x72: {  	v15 =	vld.idx.msk [tilespmem:v6+s2+$0x0], $0xffff  }
0x73: {  	v17 =	vmax.f32 v9, v10;
	v16 =	vld.idx.msk [tilespmem:v7+s2+$0x0], $0xffff  }
0x74: {  	v17 =	vmax.f32 v17, v11  }
0x75: {  	v17 =	vmax.f32 v17, v12  }
0x76: {  	v17 =	vmax.f32 v17, v13  }
0x77: {  	v17 =	vmax.f32 v17, v14  }
0x78: {  	v17 =	vmax.f32 v17, v15  }
0x79: {  	v17 =	vmax.f32 v17, v16  }
0x7a: {  	v9 =	vsub.f32 v9, v17;
	v10 =	vsub.f32 v10, v17  }
0x7b: {  	v11 =	vsub.f32 v11, v17;
	v12 =	vsub.f32 v12, v17  }
0x7c: {  	v13 =	vsub.f32 v13, v17;
	v9 =	vmul.f32 $1.442695020e+00, v9;
	v10 =	vmul.f32 $1.442695020e+00, v10  }
0x7d: {  	v14 =	vsub.f32 v14, v17;
	v11 =	vmul.f32 $1.442695020e+00, v11;
	v12 =	vmul.f32 $1.442695020e+00, v12  }
0x7e: {  	v15 =	vsub.f32 v15, v17;
	v13 =	vmul.f32 $1.442695020e+00, v13;
	(erf) = vpow2.f32 v9  }
0x7f: {  	v9 =	vmul.f32 $1.442695020e+00, v14;
	v14 =	vsub.f32 v16, v17;
	(erf) = vpow2.f32 v10  }
0x80: {  	v10 =	vmul.f32 $1.442695020e+00, v15  }
0x81: {  	v14 =	vmul.f32 $1.442695020e+00, v14;
	(erf) = vpow2.f32 v11;
	_ =	sdelay $0x1  }
0x82: {  	(erf) = vpow2.f32 v12;
	_ =	sdelay $0x1  }
0x83: {  	(erf) = vpow2.f32 v13;
	_ =	sdelay $0x1  }
0x84: {  	v11 =	vpop (erf);
	(erf) = vpow2.f32 v9  }
0x85: {  	v9 =	vpop (erf)  }
0x86: {  	v12 =	vadd.f32 v9, v11;
	(erf) = vpow2.f32 v10  }
0x87: {  	v10 =	vpop (erf)  }
0x88: {  	v12 =	vadd.f32 v12, v10;
	(erf) = vpow2.f32 v14  }
0x89: {  	v13 =	vpop (erf)  }
0x8a: {  	v12 =	vadd.f32 v12, v13  }
0x8b: {  	v14 =	vpop (erf)  }
0x8c: {  	v12 =	vadd.f32 v12, v14  }
0x8d: {  	v15 =	vpop (erf)  }
0x8e: {  	v12 =	vadd.f32 v12, v15  }
0x8f: {  	v16 =	vpop (erf)  }
0x90: {  	v12 =	vadd.f32 v12, v16  }
0x91: {  	v17 =	vpop (erf)  }
0x92: {  	v12 =	vadd.f32 v12, v17;
	_ =	sdelay $0x1  }
0x93: {  	(erf) = vrcp.f32 v12;
	_ =	sdelay $0x8  }
0x94: {  	v12 =	vpop (erf)  }
0x95: {  	v11 =	vmul.f32 v12, v11;
	v9 =	vmul.f32 v12, v9  }
0x96: {  	v10 =	vmul.f32 v12, v10  }
0x97: {  	v13 =	vmul.f32 v12, v13;
	v18 =	vmax.f32 v11, v9;
	[tilespmem:v0+s7+$0x0] =	vst.idx.msk $0xffff, v11  }
0x98: {  	v14 =	vmul.f32 v12, v14;
	v18 =	vmax.f32 v18, v10;
	[tilespmem:v1+s7+$0x0] =	vst.idx.msk $0xffff, v9  }
0x99: {  	v15 =	vmul.f32 v12, v15;
	v18 =	vmax.f32 v18, v13;
	[tilespmem:v2+s7+$0x0] =	vst.idx.msk $0xffff, v10  }
0x9a: {  	v16 =	vmul.f32 v12, v16;
	v18 =	vmax.f32 v18, v14;
	[tilespmem:v3+s7+$0x0] =	vst.idx.msk $0xffff, v13  }
0x9b: {  	v12 =	vmul.f32 v12, v17;
	v17 =	vmax.f32 v18, v15;
	[tilespmem:v4+s7+$0x0] =	vst.idx.msk $0xffff, v14  }
0x9c: {  	v17 =	vmax.f32 v17, v16;
	[tilespmem:v5+s7+$0x0] =	vst.idx.msk $0xffff, v15  }
0x9d: {  	v17 =	vmax.f32 v17, v12;
	[tilespmem:v6+s7+$0x0] =	vst.idx.msk $0xffff, v16  }
0x9e: {  	vm1 =	veq.f32 v13, v17;
	vm2 =	veq.f32 v14, v17;
	vm0 =	veq.f32 v12, v17  }
0x9f: {  	vm3 =	veq.f32 v10, v17;
	vm4 =	veq.f32 v16, v17;
	v18 =	vsel vm0, $0x7, v8;
	[tilespmem:v7+s7+$0x0] =	vst.idx.msk $0xffff, v12  }
0xa0: {  	vm5 =	veq.f32 v9, v17;
	vm6 =	veq.f32 v15, v17;
	v18 =	vsel vm4, $0x6, v18;
	[tilespmem:v0+s8+$0x0] =	vst.idx.msk $0xffff, v17  }
0xa1: {  	vm0 =	vne.f32 v11, v17;
	v17 =	vsel vm6, $0x5, v18  }
0xa2: {  	v17 =	vsel vm2, $0x4, v17;
	vm2 =	vmand vm0, vm5  }
0xa3: {  	v17 =	vsel vm1, $0x3, v17;
	v18 =	vsel vm2, $0xFF61B1E6, v9  }
0xa4: {  	v19 =	vmax.f32 v11, $-3.000000010e+38;
	v17 =	vsel vm3, $0x2, v17  }
0xa5: {  	v19 =	vnsel vm0, $0xFF61B1E6, v19;
	v17 =	vsel vm5, $0x1, v17  }
0xa6: {  	v18 =	vmax.f32 v19, v18;
	v17 =	vnsel vm0, $0x0, v17  }
0xa7: {  	vm1 =	veq.s32 v17, $0x2;
	vm3 =	veq.s32 v17, $0x3;
	vm2 =	vne.s32 v17, $0x4  }
0xa8: {  	vm4 =	veq.s32 v17, $0x5;
	v19 =	vsel vm1, $0xFF61B1E6, v10;
	vm1 =	veq.s32 v17, $0x4  }
0xa9: {  	v18 =	vmax.f32 v18, v19;
	v19 =	vsel vm3, $0xFF61B1E6, v13;
	vm3 =	veq.s32 v17, $0x6  }
0xaa: {  	vm5 =	veq.s32 v17, $0x7;
	v18 =	vmax.f32 v18, v19;
	v19 =	vsel vm1, $0xFF61B1E6, v14  }
0xab: {  	vm1 =	vne.s32 v17, $0x1;
	v18 =	vmax.f32 v18, v19;
	v19 =	vsel vm4, $0xFF61B1E6, v15  }
0xac: {  	v18 =	vmax.f32 v18, v19;
	v19 =	vsel vm3, $0xFF61B1E6, v16;
	vm3 =	vne.s32 v17, $0x2  }
0xad: {  	vm4 =	vne.s32 v17, $0x3;
	v18 =	vmax.f32 v18, v19;
	v19 =	vsel vm5, $0xFF61B1E6, v12  }
0xae: {  	vm6 =	vne.s32 v17, $0x6;
	vm5 =	vne.s32 v17, $0x5;
	v18 =	vmax.f32 v18, v19  }
0xaf: {  	vm9 =	vne.s32 v17, $0x7;
	vm7 =	veq.f32 v16, v18;
	vm8 =	veq.f32 v12, v18;
	[tilespmem:v1+s8+$0x0] =	vst.idx.msk $0xffff, v18  }
0xb0: {  	vm10 =	veq.f32 v14, v18;
	vm11 =	veq.f32 v15, v18;
	vm8 =	vmand vm9, vm8;
	[tilespmem:v0+s9+$0x0] =	vst.idx.msk $0xffff, v17  }
0xb1: {  	vm2 =	vmand vm2, vm10;
	vm6 =	vmand vm6, vm7;
	v12 =	vsel vm8, $0x7, v8  }
0xb2: {  	vm7 =	veq.f32 v13, v18;
	vm5 =	vmand vm5, vm11;
	v12 =	vsel vm6, $0x6, v12  }
0xb3: {  	vm8 =	veq.f32 v10, v18;
	vm6 =	veq.f32 v9, v18;
	v9 =	vsel vm5, $0x5, v12  }
0xb4: {  	vm4 =	vmand vm4, vm7;
	vm5 =	veq.f32 v11, v18;
	v9 =	vsel vm2, $0x4, v9  }
.Ltmp1:
0xb5: {  	vm0 =	vmand vm0, vm5;
	vm2 =	vmand vm3, vm8;
	v9 =	vsel vm4, $0x3, v9;
	(pc) =	sbr.rel @p0 .LBB2_1-.Ltmp1, $4  }
0xb6: {  	vm1 =	vmand vm1, vm6;
	v9 =	vsel vm2, $0x2, v9  }
0xb7: {  	v9 =	vsel vm1, $0x1, v9  }
0xb8: {  	v9 =	vsel vm0, $0x0, v9  }
0xb9: {  	[tilespmem:v1+s9+$0x0] =	vst.idx.msk $0xffff, v9  }
.LBB2_2:
0xba: {  	[hbm4b:s11+s2] =	stream.linear.scatter [tilespmem:s7], [sflag:$0x1], $0x2000, $0x38;
	[tilespmem:$0x8000] =	vst v63  }
0xbb: {  	_ =	swait.ge [sflag:s3], $0x2000  }
0xbc: {  	[sflag:s3] =	ssyncset.done $0x0  }
0xbd: {  	[sflag:s3] =	ssyncadd.s32 $0xFFFFE000  }
0xbe: {  	[hbm4b:s12+s2] =	stream.linear.scatter [tilespmem:s8], [sflag:$0x1], $0x2000, $0x38;
	[tilespmem:$0x8000] =	vst v63  }
0xbf: {  	_ =	swait.ge [sflag:s3], $0x2000  }
0xc0: {  	[sflag:s3] =	ssyncset.done $0x0  }
0xc1: {  	[sflag:s3] =	ssyncadd.s32 $0xFFFFE000  }
0xc2: {  	[hbm4b:s10+s2] =	stream.linear.scatter [tilespmem:s9], [sflag:$0x1], $0x2000, $0x38;
	[tilespmem:$0x8000] =	vst v63  }
0xc3: {  	_ =	swait.ge [sflag:s3], $0x2000  }
0xc4: {  	[sflag:s3] =	ssyncset.done $0x0  }
0xc5: {  	[sflag:s3] =	ssyncadd.s32 $0xFFFFE000  }
0xc6: {  	_ =	sfence.sel $0x180000  }
0xc7: {  	[bflag:$0x0] =	sbarrier.arrive $0xFFFF  }
0xc8: {  	p0 =	sne.s32 s0, $0x0;
	_ =	strace $0x90000047  }
0xc9: {  	s0 =	sadd.s32 @!p0 $0x100000, s1;
	[bflag:$0x2] =	sbarrier.arrive $0xFFFF  }
0xca: {  	[sflag:s0] =	ssyncadd.tile.s32 @!p0 $0x1;
	_ =	shalt  }
.Lfunc_end2:
_tile_overlayer_lowered:
.L_overlay_start_2:
0xcb: {  	(tag) =	ssettag $0x2  }
0xcc: {  	s0 =	rddreg [dreg:$0x0];
	s2 =	stileid.u32  }
0xcd: {  	s1 =	rddreg [dreg:$0x1];
	p0 =	sne.s32 s2, $0x0  }
0xce: {  	s3 =	rddreg [dreg:$0x2];
	[bflag:$0x3] =	sbarrier.arrive $0xFFFF;
	s2 =	simm.s32 @!p0 $0x1C01  }
0xcf: {  	[timem:s3], [sflag:s2] =	dma.local @!p0 [hbm:s0], s1  }
0xd0: {  	s0 =	simm.s32 @!p0 $0x1  }
0xd1: {  	_ =	swait.ge @!p0 [sflag:s0], s1  }
0xd2: {  	s1 =	ssub.s32 @!p0 $0x0, s1;
	[sflag:s0] =	ssyncset.done @!p0 $0x0  }
0xd3: {  	[sflag:s0] =	ssyncadd.s32 @!p0 s1  }
0xd4: {  	[bflag:$0x3] =	sbarrier.arrive $0xFFFF  }
0xd5: {  	_ =	shalt  }

</sc_bundles>
